<compile_context>
chip_gen: v7x
topology: tpu7x:2x2x1
jax: 0.10.2.dev20260603
libtpu: 0.0.44.dev20260713+nightly
codegen_flags: <defaults>
</compile_context>

<pallas_src>
import functools

import jax
import jax.numpy as jnp
from jax import lax
from jax.experimental import pallas as pl
from jax.experimental.pallas import tpu as pltpu
from jax.experimental.pallas import tpu_sc as plsc

B = 16384
D = 128
NV = 100
NC = 2
NS = 16
NW = NC * NS
B_PER_W = B // NW
R = 128
N_CHUNKS = B_PER_W // R
N_XBUF = 3

_mesh = plsc.VectorSubcoreMesh(core_axis_name="c", subcore_axis_name="s")

_scratch = (
    [pltpu.VMEM((B_PER_W,), jnp.int32),
     pltpu.VMEM_SHARED((NV, D), jnp.float32)]
    + [pltpu.VMEM((R, D), jnp.float32) for _ in range(N_XBUF)]
    + [pltpu.SemaphoreType.DMA for _ in range(N_XBUF)]
    + [pltpu.SemaphoreType.DMA for _ in range(N_XBUF)]
    + [pltpu.SemaphoreType.DMA for _ in range(N_XBUF)]
)


@functools.partial(
    pl.kernel,
    mesh=_mesh,
    out_type=jax.ShapeDtypeStruct((B, D), jnp.float32),
    scratch_types=_scratch,
)
def _sc_embed_add(x_hbm, idx_hbm, emb_hbm, out_hbm, idx_all, emb_sh, *bufs):
    x_v = bufs[:N_XBUF]
    semx = bufs[N_XBUF:2 * N_XBUF]
    semg = bufs[2 * N_XBUF:3 * N_XBUF]
    semo = bufs[3 * N_XBUF:]

    wid = lax.axis_index("s") * NC + lax.axis_index("c")
    base = wid * B_PER_W
    sid = lax.axis_index("s")

    @pl.when(sid == 0)
    def _():
        pltpu.sync_copy(emb_hbm, emb_sh)

    pltpu.sync_copy(idx_hbm.at[pl.ds(base, B_PER_W)], idx_all)
    plsc.subcore_barrier()

    x_descs = [None for _ in range(N_CHUNKS)]
    out_descs = [None for _ in range(N_XBUF)]

    def issue_x(ch):
        b = ch % N_XBUF
        if out_descs[b] is not None:
            out_descs[b].wait()
        x_descs[ch] = pltpu.async_copy(x_hbm.at[pl.ds(base + ch * R, R)],
                                       x_v[b], semx[b])

    issue_x(0)
    for ch in range(N_CHUNKS):
        b = ch % N_XBUF
        if ch + 1 < N_CHUNKS:
            issue_x(ch + 1)
        x_descs[ch].wait()
        g = pltpu.async_copy(emb_sh.at[idx_all.at[pl.ds(ch * R, R)]],
                             x_v[b], semg[b], add=True)
        g.wait()
        out_descs[b] = pltpu.async_copy(x_v[b],
                                        out_hbm.at[pl.ds(base + ch * R, R)],
                                        semo[b])
    for d in out_descs:
        if d is not None:
            d.wait()


def kernel(x, condition_idx, embeddings):
    idx = condition_idx.astype(jnp.int32)
    return _sc_embed_add(x, idx, embeddings)

# --- scband reference (transcript-rebuilt; emitter-appended) ---
"""Pipeline reference for scband-condition-embedding-60327110640018 (READ-ONLY COPY).

The authoritative reference and input builder live on the scoring server;
editing this copy changes nothing except your own understanding.
"""

import jax, jax.numpy as jnp
import numpy as np

B = 16384
EMBED_DIM = 128
N_CONDITIONS = 100

def setup_inputs(seed: int = 0) -> dict:
    key = jax.random.key(seed)
    k1, k2, k3 = jax.random.split(key, 3)
    x = jax.random.normal(k1, (B, EMBED_DIM), dtype=jnp.float32)
    condition_idx = jax.random.randint(k2, (B,), 0, N_CONDITIONS, dtype=jnp.int64 if jax.config.jax_enable_x64 else jnp.int32)
    # Learned embedding table, init normal(mean=0, std=0.01) per the torch module
    embeddings = 0.01 * jax.random.normal(k3, (N_CONDITIONS, EMBED_DIM), dtype=jnp.float32)
    return {"x": x, "condition_idx": condition_idx, "embeddings": embeddings}

def reference(x, condition_idx, embeddings):
    # mode='add': gather condition embedding rows and add to input
    cond_embed = jnp.take(embeddings, condition_idx, axis=0)
    return x + cond_embed

if __name__ == "__main__":
    import jax
    _d = setup_inputs()
    print(jax.jit(kernel)(*tuple(_d.values())))

</pallas_src>

<mosaic_0001>
#map = affine_map<(d0, d1) -> (0, 0)>
#map1 = affine_map<(d0, d1) -> (0)>
module attributes {stable_mosaic.version = 14 : i64} {
  func.func @_sc_embed_add(%arg0: i32, %arg1: i32, %arg2: memref<16384x128xf32, #tpu.memory_space<hbm>>, %arg3: memref<16384xi32, #tpu.memory_space<hbm>>, %arg4: memref<100x128xf32, #tpu.memory_space<hbm>>, %arg5: memref<16384x128xf32, #tpu.memory_space<hbm>>, %arg6: memref<512xi32, #tpu.memory_space<vmem>>, %arg7: memref<100x128xf32, #tpu.memory_space<vmem_shared>>, %arg8: memref<128x128xf32, #tpu.memory_space<vmem>>, %arg9: memref<128x128xf32, #tpu.memory_space<vmem>>, %arg10: memref<128x128xf32, #tpu.memory_space<vmem>>, %arg11: memref<!tpu.dma_semaphore, #tpu.memory_space<semaphore_mem>>, %arg12: memref<!tpu.dma_semaphore, #tpu.memory_space<semaphore_mem>>, %arg13: memref<!tpu.dma_semaphore, #tpu.memory_space<semaphore_mem>>, %arg14: memref<!tpu.dma_semaphore, #tpu.memory_space<semaphore_mem>>, %arg15: memref<!tpu.dma_semaphore, #tpu.memory_space<semaphore_mem>>, %arg16: memref<!tpu.dma_semaphore, #tpu.memory_space<semaphore_mem>>, %arg17: memref<!tpu.dma_semaphore, #tpu.memory_space<semaphore_mem>>, %arg18: memref<!tpu.dma_semaphore, #tpu.memory_space<semaphore_mem>>, %arg19: memref<!tpu.dma_semaphore, #tpu.memory_space<semaphore_mem>>) attributes {dimension_semantics = [#tpu.dimension_semantics<core_parallel>, #tpu.dimension_semantics<subcore_parallel>], iteration_bounds = array<i64: 2, 16>, scalar_prefetch = 0 : i64, scratch_operands = 14 : i64, tpu.core_type = #tpu.core_type<sc_vector_subcore>, window_params = [{transform_indices = #map}, {transform_indices = #map1}, {transform_indices = #map}, {transform_indices = #map}]} {
    %mul3A = arith.constant 2 : i32
    %mul3A_0 = arith.muli %arg1, %mul3A : i32
    %add3A = arith.addi %mul3A_0, %arg0 : i32
    %mul3A_1 = arith.constant 512 : i32
    %mul3A_2 = arith.muli %add3A, %mul3A_1 : i32
    %eq3A = arith.constant 0 : i32
    %eq3A_3 = arith.cmpi eq, %arg1, %eq3A : i32
    %convert_element_type3A = arith.extui %eq3A_3 : i1 to i32
    %cond3A = arith.constant 0 : i32
    %cond3A_4 = arith.cmpi ne, %convert_element_type3A, %cond3A : i32
    scf.if %cond3A_4 {
      "tpu.region"() ({
        %run_scoped3A = tpu.sem_alloc : memref<!tpu.dma_semaphore, #tpu.memory_space<semaphore_mem>>
        tpu.enqueue_dma source(%arg4 : memref<100x128xf32, #tpu.memory_space<hbm>>) target(%arg7 : memref<100x128xf32, #tpu.memory_space<vmem_shared>>) target_semaphore(%run_scoped3A : memref<!tpu.dma_semaphore, #tpu.memory_space<semaphore_mem>>)
        tpu.wait_dma2 semaphore(%run_scoped3A : memref<!tpu.dma_semaphore, #tpu.memory_space<semaphore_mem>>) src(%arg4 : memref<100x128xf32, #tpu.memory_space<hbm>>) dst(%arg7 : memref<100x128xf32, #tpu.memory_space<vmem_shared>>)
        tpu.yield
      }) : () -> ()
    } else {
    }
    "tpu.region"() ({
      %run_scoped3A = tpu.sem_alloc : memref<!tpu.dma_semaphore, #tpu.memory_space<semaphore_mem>>
      %dma_start3A_123 = tpu.memref_slice %arg3[%mul3A_2] : memref<16384xi32, #tpu.memory_space<hbm>> -> memref<512xi32, #tpu.memory_space<hbm>>
      %dma_start3A_124 = tpu.memref_slice %arg3[%mul3A_2] : memref<16384xi32, #tpu.memory_space<hbm>> -> memref<512xi32, #tpu.memory_space<hbm>>
      tpu.enqueue_dma source(%dma_start3A_124 : memref<512xi32, #tpu.memory_space<hbm>>) target(%arg6 : memref<512xi32, #tpu.memory_space<vmem>>) target_semaphore(%run_scoped3A : memref<!tpu.dma_semaphore, #tpu.memory_space<semaphore_mem>>)
      %dma_wait3A_125 = tpu.memref_slice %arg3[%mul3A_2] : memref<16384xi32, #tpu.memory_space<hbm>> -> memref<512xi32, #tpu.memory_space<hbm>>
      %dma_wait3A_126 = tpu.memref_slice %arg3[%mul3A_2] : memref<16384xi32, #tpu.memory_space<hbm>> -> memref<512xi32, #tpu.memory_space<hbm>>
      tpu.wait_dma2 semaphore(%run_scoped3A : memref<!tpu.dma_semaphore, #tpu.memory_space<semaphore_mem>>) src(%dma_wait3A_126 : memref<512xi32, #tpu.memory_space<hbm>>) dst(%arg6 : memref<512xi32, #tpu.memory_space<vmem>>)
      tpu.yield
    }) : () -> ()
    %barrier3A = arith.constant 0 : index
    tpu.barrier barrier_id(%barrier3A)
    %add3A_5 = arith.constant 0 : i32
    %add3A_6 = arith.addi %mul3A_2, %add3A_5 : i32
    %dma_start3A = arith.constant 0 : i32
    %dma_start3A_7 = tpu.memref_slice %arg2[%add3A_6, %dma_start3A] : memref<16384x128xf32, #tpu.memory_space<hbm>> -> memref<128x128xf32, #tpu.memory_space<hbm>>
    %dma_start3A_8 = arith.constant 0 : i32
    %dma_start3A_9 = tpu.memref_slice %arg2[%add3A_6, %dma_start3A_8] : memref<16384x128xf32, #tpu.memory_space<hbm>> -> memref<128x128xf32, #tpu.memory_space<hbm>>
    tpu.enqueue_dma source(%dma_start3A_9 : memref<128x128xf32, #tpu.memory_space<hbm>>) target(%arg8 : memref<128x128xf32, #tpu.memory_space<vmem>>) target_semaphore(%arg11 : memref<!tpu.dma_semaphore, #tpu.memory_space<semaphore_mem>>)
    %add3A_10 = arith.constant 128 : i32
    %add3A_11 = arith.addi %mul3A_2, %add3A_10 : i32
    %dma_start3A_12 = arith.constant 0 : i32
    %dma_start3A_13 = tpu.memref_slice %arg2[%add3A_11, %dma_start3A_12] : memref<16384x128xf32, #tpu.memory_space<hbm>> -> memref<128x128xf32, #tpu.memory_space<hbm>>
    %dma_start3A_14 = arith.constant 0 : i32
    %dma_start3A_15 = tpu.memref_slice %arg2[%add3A_11, %dma_start3A_14] : memref<16384x128xf32, #tpu.memory_space<hbm>> -> memref<128x128xf32, #tpu.memory_space<hbm>>
    tpu.enqueue_dma source(%dma_start3A_15 : memref<128x128xf32, #tpu.memory_space<hbm>>) target(%arg9 : memref<128x128xf32, #tpu.memory_space<vmem>>) target_semaphore(%arg12 : memref<!tpu.dma_semaphore, #tpu.memory_space<semaphore_mem>>)
    %dma_wait3A = arith.constant 0 : i32
    %dma_wait3A_16 = tpu.memref_slice %arg2[%add3A_6, %dma_wait3A] : memref<16384x128xf32, #tpu.memory_space<hbm>> -> memref<128x128xf32, #tpu.memory_space<hbm>>
    %dma_wait3A_17 = arith.constant 0 : i32
    %dma_wait3A_18 = tpu.memref_slice %arg2[%add3A_6, %dma_wait3A_17] : memref<16384x128xf32, #tpu.memory_space<hbm>> -> memref<128x128xf32, #tpu.memory_space<hbm>>
    tpu.wait_dma2 semaphore(%arg11 : memref<!tpu.dma_semaphore, #tpu.memory_space<semaphore_mem>>) src(%dma_wait3A_18 : memref<128x128xf32, #tpu.memory_space<hbm>>) dst(%arg8 : memref<128x128xf32, #tpu.memory_space<vmem>>)
    %dma_start3A_19 = arith.constant 0 : i32
    %dma_start3A_20 = tpu.memref_slice %arg6[%dma_start3A_19] : memref<512xi32, #tpu.memory_space<vmem>> -> memref<128xi32, #tpu.memory_space<vmem>>
    %dma_start3A_21 = arith.constant 0 : i32
    %dma_start3A_22 = arith.constant 0 : i32
    %dma_start3A_23 = tpu.memref_slice %arg7[%dma_start3A_21, %dma_start3A_22] : memref<100x128xf32, #tpu.memory_space<vmem_shared>> -> memref<100x128xf32, #tpu.memory_space<vmem_shared>>
    tpu.enqueue_indirect_dma source(%dma_start3A_23 : memref<100x128xf32, #tpu.memory_space<vmem_shared>>) target(%arg8 : memref<128x128xf32, #tpu.memory_space<vmem>>) offsets(%dma_start3A_20 : memref<128xi32, #tpu.memory_space<vmem>>) semaphore(%arg14 : memref<!tpu.dma_semaphore, #tpu.memory_space<semaphore_mem>>) {add = true}
    %dma_wait3A_24 = arith.constant 0 : i32
    %dma_wait3A_25 = tpu.memref_slice %arg6[%dma_wait3A_24] : memref<512xi32, #tpu.memory_space<vmem>> -> memref<128xi32, #tpu.memory_space<vmem>>
    %dma_wait3A_26 = arith.constant 0 : i32
    %dma_wait3A_27 = arith.constant 0 : i32
    %dma_wait3A_28 = tpu.memref_slice %arg7[%dma_wait3A_26, %dma_wait3A_27] : memref<100x128xf32, #tpu.memory_space<vmem_shared>> -> memref<100x128xf32, #tpu.memory_space<vmem_shared>>
    tpu.wait_indirect_dma semaphore(%arg14 : memref<!tpu.dma_semaphore, #tpu.memory_space<semaphore_mem>>) src(%dma_wait3A_28 : memref<100x128xf32, #tpu.memory_space<vmem_shared>>) dst(%arg8 : memref<128x128xf32, #tpu.memory_space<vmem>>)
    %add3A_29 = arith.constant 0 : i32
    %add3A_30 = arith.addi %mul3A_2, %add3A_29 : i32
    %dma_start3A_31 = arith.constant 0 : i32
    %dma_start3A_32 = tpu.memref_slice %arg5[%add3A_30, %dma_start3A_31] : memref<16384x128xf32, #tpu.memory_space<hbm>> -> memref<128x128xf32, #tpu.memory_space<hbm>>
    %dma_start3A_33 = arith.constant 0 : i32
    %dma_start3A_34 = tpu.memref_slice %arg5[%add3A_30, %dma_start3A_33] : memref<16384x128xf32, #tpu.memory_space<hbm>> -> memref<128x128xf32, #tpu.memory_space<hbm>>
    tpu.enqueue_dma source(%arg8 : memref<128x128xf32, #tpu.memory_space<vmem>>) target(%dma_start3A_34 : memref<128x128xf32, #tpu.memory_space<hbm>>) target_semaphore(%arg17 : memref<!tpu.dma_semaphore, #tpu.memory_space<semaphore_mem>>)
    %add3A_35 = arith.constant 256 : i32
    %add3A_36 = arith.addi %mul3A_2, %add3A_35 : i32
    %dma_start3A_37 = arith.constant 0 : i32
    %dma_start3A_38 = tpu.memref_slice %arg2[%add3A_36, %dma_start3A_37] : memref<16384x128xf32, #tpu.memory_space<hbm>> -> memref<128x128xf32, #tpu.memory_space<hbm>>
    %dma_start3A_39 = arith.constant 0 : i32
    %dma_start3A_40 = tpu.memref_slice %arg2[%add3A_36, %dma_start3A_39] : memref<16384x128xf32, #tpu.memory_space<hbm>> -> memref<128x128xf32, #tpu.memory_space<hbm>>
    tpu.enqueue_dma source(%dma_start3A_40 : memref<128x128xf32, #tpu.memory_space<hbm>>) target(%arg10 : memref<128x128xf32, #tpu.memory_space<vmem>>) target_semaphore(%arg13 : memref<!tpu.dma_semaphore, #tpu.memory_space<semaphore_mem>>)
    %dma_wait3A_41 = arith.constant 0 : i32
    %dma_wait3A_42 = tpu.memref_slice %arg2[%add3A_11, %dma_wait3A_41] : memref<16384x128xf32, #tpu.memory_space<hbm>> -> memref<128x128xf32, #tpu.memory_space<hbm>>
    %dma_wait3A_43 = arith.constant 0 : i32
    %dma_wait3A_44 = tpu.memref_slice %arg2[%add3A_11, %dma_wait3A_43] : memref<16384x128xf32, #tpu.memory_space<hbm>> -> memref<128x128xf32, #tpu.memory_space<hbm>>
    tpu.wait_dma2 semaphore(%arg12 : memref<!tpu.dma_semaphore, #tpu.memory_space<semaphore_mem>>) src(%dma_wait3A_44 : memref<128x128xf32, #tpu.memory_space<hbm>>) dst(%arg9 : memref<128x128xf32, #tpu.memory_space<vmem>>)
    %dma_start3A_45 = arith.constant 128 : i32
    %dma_start3A_46 = tpu.memref_slice %arg6[%dma_start3A_45] : memref<512xi32, #tpu.memory_space<vmem>> -> memref<128xi32, #tpu.memory_space<vmem>>
    %dma_start3A_47 = arith.constant 0 : i32
    %dma_start3A_48 = arith.constant 0 : i32
    %dma_start3A_49 = tpu.memref_slice %arg7[%dma_start3A_47, %dma_start3A_48] : memref<100x128xf32, #tpu.memory_space<vmem_shared>> -> memref<100x128xf32, #tpu.memory_space<vmem_shared>>
    tpu.enqueue_indirect_dma source(%dma_start3A_49 : memref<100x128xf32, #tpu.memory_space<vmem_shared>>) target(%arg9 : memref<128x128xf32, #tpu.memory_space<vmem>>) offsets(%dma_start3A_46 : memref<128xi32, #tpu.memory_space<vmem>>) semaphore(%arg15 : memref<!tpu.dma_semaphore, #tpu.memory_space<semaphore_mem>>) {add = true}
    %dma_wait3A_50 = arith.constant 128 : i32
    %dma_wait3A_51 = tpu.memref_slice %arg6[%dma_wait3A_50] : memref<512xi32, #tpu.memory_space<vmem>> -> memref<128xi32, #tpu.memory_space<vmem>>
    %dma_wait3A_52 = arith.constant 0 : i32
    %dma_wait3A_53 = arith.constant 0 : i32
    %dma_wait3A_54 = tpu.memref_slice %arg7[%dma_wait3A_52, %dma_wait3A_53] : memref<100x128xf32, #tpu.memory_space<vmem_shared>> -> memref<100x128xf32, #tpu.memory_space<vmem_shared>>
    tpu.wait_indirect_dma semaphore(%arg15 : memref<!tpu.dma_semaphore, #tpu.memory_space<semaphore_mem>>) src(%dma_wait3A_54 : memref<100x128xf32, #tpu.memory_space<vmem_shared>>) dst(%arg9 : memref<128x128xf32, #tpu.memory_space<vmem>>)
    %add3A_55 = arith.constant 128 : i32
    %add3A_56 = arith.addi %mul3A_2, %add3A_55 : i32
    %dma_start3A_57 = arith.constant 0 : i32
    %dma_start3A_58 = tpu.memref_slice %arg5[%add3A_56, %dma_start3A_57] : memref<16384x128xf32, #tpu.memory_space<hbm>> -> memref<128x128xf32, #tpu.memory_space<hbm>>
    %dma_start3A_59 = arith.constant 0 : i32
    %dma_start3A_60 = tpu.memref_slice %arg5[%add3A_56, %dma_start3A_59] : memref<16384x128xf32, #tpu.memory_space<hbm>> -> memref<128x128xf32, #tpu.memory_space<hbm>>
    tpu.enqueue_dma source(%arg9 : memref<128x128xf32, #tpu.memory_space<vmem>>) target(%dma_start3A_60 : memref<128x128xf32, #tpu.memory_space<hbm>>) target_semaphore(%arg18 : memref<!tpu.dma_semaphore, #tpu.memory_space<semaphore_mem>>)
    %dma_wait3A_61 = arith.constant 0 : i32
    %dma_wait3A_62 = tpu.memref_slice %arg5[%add3A_30, %dma_wait3A_61] : memref<16384x128xf32, #tpu.memory_space<hbm>> -> memref<128x128xf32, #tpu.memory_space<hbm>>
    %dma_wait3A_63 = arith.constant 0 : i32
    %dma_wait3A_64 = tpu.memref_slice %arg5[%add3A_30, %dma_wait3A_63] : memref<16384x128xf32, #tpu.memory_space<hbm>> -> memref<128x128xf32, #tpu.memory_space<hbm>>
    tpu.wait_dma2 semaphore(%arg17 : memref<!tpu.dma_semaphore, #tpu.memory_space<semaphore_mem>>) src(%arg8 : memref<128x128xf32, #tpu.memory_space<vmem>>) dst(%dma_wait3A_64 : memref<128x128xf32, #tpu.memory_space<hbm>>)
    %add3A_65 = arith.constant 384 : i32
    %add3A_66 = arith.addi %mul3A_2, %add3A_65 : i32
    %dma_start3A_67 = arith.constant 0 : i32
    %dma_start3A_68 = tpu.memref_slice %arg2[%add3A_66, %dma_start3A_67] : memref<16384x128xf32, #tpu.memory_space<hbm>> -> memref<128x128xf32, #tpu.memory_space<hbm>>
    %dma_start3A_69 = arith.constant 0 : i32
    %dma_start3A_70 = tpu.memref_slice %arg2[%add3A_66, %dma_start3A_69] : memref<16384x128xf32, #tpu.memory_space<hbm>> -> memref<128x128xf32, #tpu.memory_space<hbm>>
    tpu.enqueue_dma source(%dma_start3A_70 : memref<128x128xf32, #tpu.memory_space<hbm>>) target(%arg8 : memref<128x128xf32, #tpu.memory_space<vmem>>) target_semaphore(%arg11 : memref<!tpu.dma_semaphore, #tpu.memory_space<semaphore_mem>>)
    %dma_wait3A_71 = arith.constant 0 : i32
    %dma_wait3A_72 = tpu.memref_slice %arg2[%add3A_36, %dma_wait3A_71] : memref<16384x128xf32, #tpu.memory_space<hbm>> -> memref<128x128xf32, #tpu.memory_space<hbm>>
    %dma_wait3A_73 = arith.constant 0 : i32
    %dma_wait3A_74 = tpu.memref_slice %arg2[%add3A_36, %dma_wait3A_73] : memref<16384x128xf32, #tpu.memory_space<hbm>> -> memref<128x128xf32, #tpu.memory_space<hbm>>
    tpu.wait_dma2 semaphore(%arg13 : memref<!tpu.dma_semaphore, #tpu.memory_space<semaphore_mem>>) src(%dma_wait3A_74 : memref<128x128xf32, #tpu.memory_space<hbm>>) dst(%arg10 : memref<128x128xf32, #tpu.memory_space<vmem>>)
    %dma_start3A_75 = arith.constant 256 : i32
    %dma_start3A_76 = tpu.memref_slice %arg6[%dma_start3A_75] : memref<512xi32, #tpu.memory_space<vmem>> -> memref<128xi32, #tpu.memory_space<vmem>>
    %dma_start3A_77 = arith.constant 0 : i32
    %dma_start3A_78 = arith.constant 0 : i32
    %dma_start3A_79 = tpu.memref_slice %arg7[%dma_start3A_77, %dma_start3A_78] : memref<100x128xf32, #tpu.memory_space<vmem_shared>> -> memref<100x128xf32, #tpu.memory_space<vmem_shared>>
    tpu.enqueue_indirect_dma source(%dma_start3A_79 : memref<100x128xf32, #tpu.memory_space<vmem_shared>>) target(%arg10 : memref<128x128xf32, #tpu.memory_space<vmem>>) offsets(%dma_start3A_76 : memref<128xi32, #tpu.memory_space<vmem>>) semaphore(%arg16 : memref<!tpu.dma_semaphore, #tpu.memory_space<semaphore_mem>>) {add = true}
    %dma_wait3A_80 = arith.constant 256 : i32
    %dma_wait3A_81 = tpu.memref_slice %arg6[%dma_wait3A_80] : memref<512xi32, #tpu.memory_space<vmem>> -> memref<128xi32, #tpu.memory_space<vmem>>
    %dma_wait3A_82 = arith.constant 0 : i32
    %dma_wait3A_83 = arith.constant 0 : i32
    %dma_wait3A_84 = tpu.memref_slice %arg7[%dma_wait3A_82, %dma_wait3A_83] : memref<100x128xf32, #tpu.memory_space<vmem_shared>> -> memref<100x128xf32, #tpu.memory_space<vmem_shared>>
    tpu.wait_indirect_dma semaphore(%arg16 : memref<!tpu.dma_semaphore, #tpu.memory_space<semaphore_mem>>) src(%dma_wait3A_84 : memref<100x128xf32, #tpu.memory_space<vmem_shared>>) dst(%arg10 : memref<128x128xf32, #tpu.memory_space<vmem>>)
    %add3A_85 = arith.constant 256 : i32
    %add3A_86 = arith.addi %mul3A_2, %add3A_85 : i32
    %dma_start3A_87 = arith.constant 0 : i32
    %dma_start3A_88 = tpu.memref_slice %arg5[%add3A_86, %dma_start3A_87] : memref<16384x128xf32, #tpu.memory_space<hbm>> -> memref<128x128xf32, #tpu.memory_space<hbm>>
    %dma_start3A_89 = arith.constant 0 : i32
    %dma_start3A_90 = tpu.memref_slice %arg5[%add3A_86, %dma_start3A_89] : memref<16384x128xf32, #tpu.memory_space<hbm>> -> memref<128x128xf32, #tpu.memory_space<hbm>>
    tpu.enqueue_dma source(%arg10 : memref<128x128xf32, #tpu.memory_space<vmem>>) target(%dma_start3A_90 : memref<128x128xf32, #tpu.memory_space<hbm>>) target_semaphore(%arg19 : memref<!tpu.dma_semaphore, #tpu.memory_space<semaphore_mem>>)
    %dma_wait3A_91 = arith.constant 0 : i32
    %dma_wait3A_92 = tpu.memref_slice %arg2[%add3A_66, %dma_wait3A_91] : memref<16384x128xf32, #tpu.memory_space<hbm>> -> memref<128x128xf32, #tpu.memory_space<hbm>>
    %dma_wait3A_93 = arith.constant 0 : i32
    %dma_wait3A_94 = tpu.memref_slice %arg2[%add3A_66, %dma_wait3A_93] : memref<16384x128xf32, #tpu.memory_space<hbm>> -> memref<128x128xf32, #tpu.memory_space<hbm>>
    tpu.wait_dma2 semaphore(%arg11 : memref<!tpu.dma_semaphore, #tpu.memory_space<semaphore_mem>>) src(%dma_wait3A_94 : memref<128x128xf32, #tpu.memory_space<hbm>>) dst(%arg8 : memref<128x128xf32, #tpu.memory_space<vmem>>)
    %dma_start3A_95 = arith.constant 384 : i32
    %dma_start3A_96 = tpu.memref_slice %arg6[%dma_start3A_95] : memref<512xi32, #tpu.memory_space<vmem>> -> memref<128xi32, #tpu.memory_space<vmem>>
    %dma_start3A_97 = arith.constant 0 : i32
    %dma_start3A_98 = arith.constant 0 : i32
    %dma_start3A_99 = tpu.memref_slice %arg7[%dma_start3A_97, %dma_start3A_98] : memref<100x128xf32, #tpu.memory_space<vmem_shared>> -> memref<100x128xf32, #tpu.memory_space<vmem_shared>>
    tpu.enqueue_indirect_dma source(%dma_start3A_99 : memref<100x128xf32, #tpu.memory_space<vmem_shared>>) target(%arg8 : memref<128x128xf32, #tpu.memory_space<vmem>>) offsets(%dma_start3A_96 : memref<128xi32, #tpu.memory_space<vmem>>) semaphore(%arg14 : memref<!tpu.dma_semaphore, #tpu.memory_space<semaphore_mem>>) {add = true}
    %dma_wait3A_100 = arith.constant 384 : i32
    %dma_wait3A_101 = tpu.memref_slice %arg6[%dma_wait3A_100] : memref<512xi32, #tpu.memory_space<vmem>> -> memref<128xi32, #tpu.memory_space<vmem>>
    %dma_wait3A_102 = arith.constant 0 : i32
    %dma_wait3A_103 = arith.constant 0 : i32
    %dma_wait3A_104 = tpu.memref_slice %arg7[%dma_wait3A_102, %dma_wait3A_103] : memref<100x128xf32, #tpu.memory_space<vmem_shared>> -> memref<100x128xf32, #tpu.memory_space<vmem_shared>>
    tpu.wait_indirect_dma semaphore(%arg14 : memref<!tpu.dma_semaphore, #tpu.memory_space<semaphore_mem>>) src(%dma_wait3A_104 : memref<100x128xf32, #tpu.memory_space<vmem_shared>>) dst(%arg8 : memref<128x128xf32, #tpu.memory_space<vmem>>)
    %add3A_105 = arith.constant 384 : i32
    %add3A_106 = arith.addi %mul3A_2, %add3A_105 : i32
    %dma_start3A_107 = arith.constant 0 : i32
    %dma_start3A_108 = tpu.memref_slice %arg5[%add3A_106, %dma_start3A_107] : memref<16384x128xf32, #tpu.memory_space<hbm>> -> memref<128x128xf32, #tpu.memory_space<hbm>>
    %dma_start3A_109 = arith.constant 0 : i32
    %dma_start3A_110 = tpu.memref_slice %arg5[%add3A_106, %dma_start3A_109] : memref<16384x128xf32, #tpu.memory_space<hbm>> -> memref<128x128xf32, #tpu.memory_space<hbm>>
    tpu.enqueue_dma source(%arg8 : memref<128x128xf32, #tpu.memory_space<vmem>>) target(%dma_start3A_110 : memref<128x128xf32, #tpu.memory_space<hbm>>) target_semaphore(%arg17 : memref<!tpu.dma_semaphore, #tpu.memory_space<semaphore_mem>>)
    %dma_wait3A_111 = arith.constant 0 : i32
    %dma_wait3A_112 = tpu.memref_slice %arg5[%add3A_106, %dma_wait3A_111] : memref<16384x128xf32, #tpu.memory_space<hbm>> -> memref<128x128xf32, #tpu.memory_space<hbm>>
    %dma_wait3A_113 = arith.constant 0 : i32
    %dma_wait3A_114 = tpu.memref_slice %arg5[%add3A_106, %dma_wait3A_113] : memref<16384x128xf32, #tpu.memory_space<hbm>> -> memref<128x128xf32, #tpu.memory_space<hbm>>
    tpu.wait_dma2 semaphore(%arg17 : memref<!tpu.dma_semaphore, #tpu.memory_space<semaphore_mem>>) src(%arg8 : memref<128x128xf32, #tpu.memory_space<vmem>>) dst(%dma_wait3A_114 : memref<128x128xf32, #tpu.memory_space<hbm>>)
    %dma_wait3A_115 = arith.constant 0 : i32
    %dma_wait3A_116 = tpu.memref_slice %arg5[%add3A_56, %dma_wait3A_115] : memref<16384x128xf32, #tpu.memory_space<hbm>> -> memref<128x128xf32, #tpu.memory_space<hbm>>
    %dma_wait3A_117 = arith.constant 0 : i32
    %dma_wait3A_118 = tpu.memref_slice %arg5[%add3A_56, %dma_wait3A_117] : memref<16384x128xf32, #tpu.memory_space<hbm>> -> memref<128x128xf32, #tpu.memory_space<hbm>>
    tpu.wait_dma2 semaphore(%arg18 : memref<!tpu.dma_semaphore, #tpu.memory_space<semaphore_mem>>) src(%arg9 : memref<128x128xf32, #tpu.memory_space<vmem>>) dst(%dma_wait3A_118 : memref<128x128xf32, #tpu.memory_space<hbm>>)
    %dma_wait3A_119 = arith.constant 0 : i32
    %dma_wait3A_120 = tpu.memref_slice %arg5[%add3A_86, %dma_wait3A_119] : memref<16384x128xf32, #tpu.memory_space<hbm>> -> memref<128x128xf32, #tpu.memory_space<hbm>>
    %dma_wait3A_121 = arith.constant 0 : i32
    %dma_wait3A_122 = tpu.memref_slice %arg5[%add3A_86, %dma_wait3A_121] : memref<16384x128xf32, #tpu.memory_space<hbm>> -> memref<128x128xf32, #tpu.memory_space<hbm>>
    tpu.wait_dma2 semaphore(%arg19 : memref<!tpu.dma_semaphore, #tpu.memory_space<semaphore_mem>>) src(%arg10 : memref<128x128xf32, #tpu.memory_space<vmem>>) dst(%dma_wait3A_122 : memref<128x128xf32, #tpu.memory_space<hbm>>)
    return
  }
}

</mosaic_0001>

<sc_bundles>
// kernel: kernel.3.cloned.1.call-start
scs
__scs_entry_jumppad:
0x0: {  	(pc) =	sbr.rel $0x88, $3  }
0x1: {  	(tag) =	ssettag $0x0;
	lr =	simm.s32 $0x1  }
0x2: {  	[smem:$0x3F9E] =	sst lr;
	_ =	strace $0xD0000000  }
0x3: {  	_ = 	snop  }
0x4: {  	_ = 	snop  }
0x5: {  	_ = 	snop  }
0x6: {  	_ = 	snop  }
0x7: {  	_ = 	snop  }
__scs_overlays_trampoline_lowered:
0x8: {  	[smem:$0x3FAD] =	sst s0  }
0x9: {  	[smem:$0x3FAE] =	sst s1  }
0xa: {  	[smem:$0x3FAF] =	sst s2  }
0xb: {  	[smem:$0x3FB0] =	sst s3  }
0xc: {  	[smem:$0x3FB1] =	sst s4  }
0xd: {  	[smem:$0x3FB2] =	sst s5  }
0xe: {  	[smem:$0x3FB3] =	sst s6  }
0xf: {  	[smem:$0x3FB4] =	sst s7  }
0x10: {  	[smem:$0x3FB5] =	sst s8  }
0x11: {  	[smem:$0x3FB6] =	sst s9;
	s0 =	simm.s32 @!p0 $0x0  }
0x12: {  	s1 =	sld [smem:$0x3F9C];
	s0 =	simm.s32 @p0 $0x1  }
0x13: {  	[smem:$0x3FB7] =	sst s0;
	s0 =	simm.s32 @!p1 $0x0  }
0x14: {  	s2 =	sld [smem:$0x3F9B];
	s0 =	simm.s32 @p1 $0x1  }
0x15: {  	[smem:$0x3FB8] =	sst s0;
	s0 =	simm.s32 @!p2 $0x0  }
0x16: {  	s3 =	sld [smem:$0x3FDB];
	s0 =	simm.s32 @p2 $0x1  }
0x17: {  	s4 =	simm.s32 $0x1BF5;
	[smem:$0x3FBA] =	sst s0  }
0x18: {  	s0 =	sld [smem:$0x3F9D];
	_ =	swait.ge [sflag:s4], $0x0  }
0x19: {  	s7 =	sld [smem:$0x3F9E]  }
0x1a: {  	s8 =	sadd.s32 $0xFFFFE003, lr  }
0x1b: {  	s9 =	sadd.s32 $0xFFFFFEF7, lr;
	s5 =	simm.s32 $0xFFFFFFFF;
	p2 =	slt.u32 s8, $0xFFFFF086  }
0x1c: {  	p1 =	slt.u32 s9, $0xF7A;
	s5 =	simm.s32 @!p2 $0x0  }
0x1d: {  	s5 =	simm.s32 @p1 $0x1;
	p0 =	seq.s32 s7, s2  }
0x1e: {  	s7 =	smul.u32 @!p0 $0xF7A, s2;
	p2 =	seq.s32 @!p0 s5, $0x0  }
0x1f: {  	s9 =	smul.u32 $0xF7A, s1;
	s8 =	simm.s32 @!p0 $0x1BF5;
	p2 =	por !p2, p0  }
0x20: {  	[sflag:s8] =	ssyncset.s32 @!p0 $0xFFFFF086;
	s6 =	sadd.s32 @!p0 s3, s7;
	s7 =	simm.s32 @!p0 $0x108  }
0x21: {  	s3 =	sadd.s32 s3, s9;
	s6 =	sadd.s32 @!p0 $0x88, s6;
	s7 =	simm.s32 @p2 $0x1082  }
0x22: {  	[simem:s7], [sflag:s8] =	dma.local @!p0 [hbm:s6], $0xF7A  }
0x23: {  	s9 =	sor.u32 $0xD0000000, s2;
	s6 =	simm.s32 $0x108;
	_ =	swait.ge @!p0 [sflag:s8], $0x0  }
0x24: {  	s3 =	sadd.s32 $0x88, s3;
	s6 =	simm.s32 @!p1 $0x1082;
	[sflag:s4] =	ssyncset.s32 $0xFFFFF086  }
0x25: {  	[simem:s6], [sflag:s4] =	dma.local [hbm:s3], $0xF7A  }
0x26: {  	[smem:$0x3F9E] =	sst s1;
	(tag) =	ssettag s2;
	_ =	strace s9  }
0x27: {  	s1 =	sld [smem:$0x3FAE]  }
0x28: {  	s2 =	sld [smem:$0x3FAF]  }
0x29: {  	s4 =	sld [smem:$0x3FB1]  }
0x2a: {  	p0 =	seq.s32 s5, $0x0;
	s5 =	sld [smem:$0x3FB2]  }
0x2b: {  	s6 =	sld [smem:$0x3FB3]  }
0x2c: {  	s7 =	sld [smem:$0x3FB4]  }
0x2d: {  	s3 =	simm.s32 $0x108;
	s8 =	sld [smem:$0x3FB5]  }
0x2e: {  	s3 =	simm.s32 @!p0 $0x1082;
	s9 =	sld [smem:$0x3FB6]  }
0x2f: {  	lr =	sadd.s32 s0, s3;
	s0 =	sld [smem:$0x3FAD]  }
0x30: {  	s3 =	sld [smem:$0x3FB0]  }
0x31: {  	[smem:$0x3FB9] =	sst s10  }
0x32: {  	s10 =	sld [smem:$0x3FB7];
	_ =	sdelay $0x3  }
0x33: {  	p0 =	seq.s32 s10, $0x1;
	s10 =	sld [smem:$0x3FB9];
	_ =	sdelay $0x3  }
0x34: {  	[smem:$0x3FB9] =	sst s10  }
0x35: {  	s10 =	sld [smem:$0x3FB8];
	_ =	sdelay $0x3  }
0x36: {  	p1 =	seq.s32 s10, $0x1;
	s10 =	sld [smem:$0x3FB9];
	_ =	sdelay $0x3  }
0x37: {  	[smem:$0x3FB9] =	sst s10  }
0x38: {  	s10 =	sld [smem:$0x3FBA]  }
0x39: {  	_ = 	snop;
	(pc) =	sbr.ind lr, $3  }
0x3a: {  	_ = 	snop  }
0x3b: {  	_ = 	snop  }
0x3c: {  	p2 =	seq.s32 s10, $0x1;
	s10 =	sld [smem:$0x3FB9]  }
0x3d: {  	_ =	shalt  }
0x3e: {  	_ =	shalt  }
0x3f: {  	_ =	shalt  }
0x40: {  	_ =	shalt  }
0x41: {  	_ =	shalt  }
0x42: {  	_ =	shalt  }
0x43: {  	_ =	shalt  }
0x44: {  	_ =	shalt  }
0x45: {  	_ =	shalt  }
0x46: {  	_ =	shalt  }
0x47: {  	_ =	shalt  }
0x48: {  	_ =	shalt  }
0x49: {  	_ =	shalt  }
0x4a: {  	_ =	shalt  }
0x4b: {  	_ =	shalt  }
0x4c: {  	_ =	shalt  }
0x4d: {  	_ =	shalt  }
0x4e: {  	_ =	shalt  }
0x4f: {  	_ =	shalt  }
0x50: {  	_ =	shalt  }
0x51: {  	_ =	shalt  }
0x52: {  	_ =	shalt  }
0x53: {  	_ =	shalt  }
0x54: {  	_ =	shalt  }
0x55: {  	_ =	shalt  }
0x56: {  	_ =	shalt  }
0x57: {  	_ =	shalt  }
0x58: {  	_ =	shalt  }
0x59: {  	_ =	shalt  }
0x5a: {  	_ =	shalt  }
0x5b: {  	_ =	shalt  }
0x5c: {  	_ =	shalt  }
0x5d: {  	_ =	shalt  }
0x5e: {  	_ =	shalt  }
0x5f: {  	_ =	shalt  }
0x60: {  	_ =	shalt  }
0x61: {  	_ =	shalt  }
0x62: {  	_ =	shalt  }
0x63: {  	_ =	shalt  }
0x64: {  	_ =	shalt  }
0x65: {  	_ =	shalt  }
0x66: {  	_ =	shalt  }
0x67: {  	_ =	shalt  }
0x68: {  	_ =	shalt  }
0x69: {  	_ =	shalt  }
0x6a: {  	_ =	shalt  }
0x6b: {  	_ =	shalt  }
0x6c: {  	_ =	shalt  }
0x6d: {  	_ =	shalt  }
0x6e: {  	_ =	shalt  }
0x6f: {  	_ =	shalt  }
0x70: {  	_ =	shalt  }
0x71: {  	_ =	shalt  }
0x72: {  	_ =	shalt  }
0x73: {  	_ =	shalt  }
0x74: {  	_ =	shalt  }
0x75: {  	_ =	shalt  }
0x76: {  	_ =	shalt  }
0x77: {  	_ =	shalt  }
0x78: {  	_ =	shalt  }
0x79: {  	_ =	shalt  }
0x7a: {  	_ =	shalt  }
0x7b: {  	_ =	shalt  }
0x7c: {  	_ =	shalt  }
0x7d: {  	_ =	shalt  }
0x7e: {  	_ =	shalt  }
0x7f: {  	_ =	shalt  }
0x80: {  	_ =	shalt  }
0x81: {  	_ =	shalt  }
0x82: {  	_ =	shalt  }
0x83: {  	_ =	shalt  }
0x84: {  	_ =	shalt  }
0x85: {  	_ =	shalt  }
0x86: {  	_ =	shalt  }
0x87: {  	_ =	shalt  }
.Lfunc_end0:
.L_simem_size_0:
called_computation_lowered:
.L_overlay_start_0:
0x88: {  	s2 =	sld [smem:$0x3FD9]  }
0x89: {  	s3 =	sld [smem:$0x3FFE];
	_ =	sdelay $0x1  }
0x8a: {  	s1 =	srdreg.scid  }
0x8b: {  	s0 =	sand.u32 $0x1, s1  }
0x8c: {  	s18 =	sshll.u32 s0, $0xA;
	s2 =	sadd.s32 s3, s2  }
0x8d: {  	s2 =	sadd.s32 s2, s18  }
0x8e: {  	[smem:$0x3FC5] =	sst s2  }
0x8f: {  	_ = 	snop  }
0x90: {  	s2 =	sld [smem:$0x3FC9]  }
0x91: {  	s19 =	sld [smem:$0x3FC8]  }
0x92: {  	s4 =	sld [smem:$0x3FC7]  }
0x93: {  	s5 =	sld [smem:$0x3FD0];
	(tm) =	ssettm $0x1  }
0x94: {  	s6 =	sld [smem:$0x3FFB];
	_ =	sdelay $0x3  }
0x95: {  	_ =	strace s6  }
0x96: {  	s6 =	sld [smem:$0x3FFC];
	_ =	sdelay $0x3  }
0x97: {  	_ =	strace s6  }
0x98: {  	s6 =	sld [smem:$0x3FFD];
	_ =	sdelay $0x3  }
0x99: {  	_ =	strace s6  }
0x9a: {  	_ =	strace $0x8FFFFFFF  }
0x9b: {  	s20 =	sld [smem:$0x3FDB];
	_ =	sdelay $0x1  }
0x9c: {  	s7 =	simm.s32 $_scs_section_size  }
0x9d: {  	s8 =	simm.s32 $_size__tile_overlayer_lowered;
	s9 =	simm.s32 $_tile_overlayer_lowered  }
0x9e: {  	s23 =	simm.s32 $0x1BFF;
	s22 =	sshll.u32 s9, $0x1;
	s6 =	sadd.s32 s7, s20  }
0x9f: {  	s10 =	simm.s32 $0x0;
	s21 =	sshll.u32 s8, $0x1;
	s8 =	sadd.s32 s22, s6  }
0xa0: {  	[timem:s10], [sflag:s23] =	dma.local [hbm:s8], s21  }
0xa1: {  	_ =	swait.ge [sflag:s23], s21  }
0xa2: {  	s7 =	ssub.s32 $0x0, s21;
	[sflag:s23] =	ssyncset.done $0x0  }
0xa3: {  	[sflag:s23] =	ssyncadd.s32 s7;
	_ =	sdelay $0x1  }
0xa4: {  	s24 =	simm.s32 $0x1B8B  }
0xa5: {  	_ =	swait.ge [sflag:s24], $0x1  }
0xa6: {  	[sflag:s24] =	ssyncset.done $0x0  }
0xa7: {  	s25 =	simm.s32 $0x1B8E;
	[sflag:s24] =	ssyncadd.s32 $0xFFFFFFFF  }
0xa8: {  	s26 =	simm.s32 $execute0_lowered;
	[smem:$0x3FD2] =	sst s25  }
0xa9: {  	s7 =	sshll.u32 s26, $0x1;
	_ =	strace $0x80000046;
	[dreg:$0x1] =	wrdreg $0xFFFFFFFF  }
0xaa: {  	s28 =	simm.s32 $_size_execute0_lowered;
	s6 =	sadd.s32 s6, s7;
	[dreg:$0x0] =	wrdreg $0x0  }
0xab: {  	s7 =	sshll.u32 s28, $0x1;
	[dreg:$0x2] =	wrdreg s6  }
0xac: {  	[dreg:$0x3] =	wrdreg s7  }
0xad: {  	[dreg:$0x4] =	wrdreg $0xC0  }
0xae: {  	_ =	task [dreg:s10], $0x5FFFF  }
0xaf: {  	[dreg:$0x1] =	wrdreg $0xFFFFFFFF  }
0xb0: {  	[dreg:$0x0] =	wrdreg $0x60  }
0xb1: {  	[dreg:$0x2] =	wrdreg s2  }
0xb2: {  	[dreg:$0x3] =	wrdreg s19  }
0xb3: {  	[dreg:$0x4] =	wrdreg s4  }
0xb4: {  	[dreg:$0x5] =	wrdreg s5  }
0xb5: {  	[dreg:$0x6] =	wrdreg $0x2000  }
0xb6: {  	[dreg:$0x7] =	wrdreg $0x9  }
0xb7: {  	_ =	task.clear_ibuf [dreg:s10], $0x8FFFF;
	_ =	strace $0x90000046  }
0xb8: {  	s29 =	simm.s32 $0x9;
	_ =	strace $0x80000048  }
0xb9: {  	_ =	swait.ge [sflag:s29], $0x1  }
0xba: {  	[sflag:s29] =	ssyncadd.s32 $0xFFFFFFFF  }
0xbb: {  	_ =	strace $0x90000048  }
0xbc: {  	_ =	sfence  }
0xbd: {  	s30 =	sld [smem:$0x0];
	_ =	sdelay $0x2  }
0xbe: {  	s31 =	sshll.u32 s1, $0xD;
	s1 =	sshrl.u32 s1, $0x2  }
0xbf: {  	s3 =	sand.u32 $0x4000, s31;
	s1 =	sadd.s32 s1, s30  }
0xc0: {  	s0 =	sor.u32 s3, s0;
	s1 =	sshll.u32 s1, $0x11  }
0xc1: {  	s0 =	sor.u32 s1, s0  }
0xc2: {  	s0 =	sadd.s32 $0x8F2B, s0  }
0xc3: {  	[sflag:s0] =	ssyncadd.remote.s32 $0x1  }
0xc4: {  	_ =	sfence.sel $0xFFFF  }
0xc5: {  	[dreg:$0x0] =	wrdreg $0xFFFFFFFF;
	(pc) =	sbr.abs _section_cstart, $3  }
0xc6: {  	[dreg:$0x1] =	wrdreg $0xFFFFFFFF  }
0xc7: {  	_ =	task.clear_ibuf [dreg:s10], $0x2FFFF;
	_ =	strace $0x9FFFFFFF  }
0xc8: {  	(tm) =	ssettm $0x7FFFFFFF  }
0xc9: {  	_ =	shalt  }
tec
execute0_lowered:
.L_overlay_start_1:
0x0: {  	(tag) =	ssettag $0x1  }
0x1: {  	s21 =	rddreg [dreg:$0x0]  }
0x2: {  	s3 =	rddreg [dreg:$0x1]  }
0x3: {  	s0 =	rddreg [dreg:$0x2]  }
0x4: {  	s28 =	rddreg [dreg:$0x3]  }
0x5: {  	s1 =	rddreg [dreg:$0x4];
	s2 =	srdreg.scid  }
0x6: {  	s4 =	stileid.u32;
	[dreg:$0x6] =	wrdreg s0;
	s29 =	sand.u32 $0x1, s2  }
0x7: {  	s2 =	simm.s32 $0x0;
	s5 =	sshll.u32 s4, $0xA;
	s6 =	sshll.u32 s29, $0x9  }
0x8: {  	[smem:$0x7FF] =	sst s2;
	s7 =	sor.u32 s6, s5  }
0x9: {  	p0 =	sne.s32 s4, $0x0;
	_ =	strace $0x80000047;
	s5 =	sshrl.u32 s7, $0x3  }
0xa: {  	s4 =	simm.s32 @!p0 $0x1C0A;
	s6 =	rddreg [dreg:$0x6];
	s3 =	sadd.s32 s3, s5  }
0xb: {  	s5 =	simm.s32 @!p0 $0xA;
	[dreg:$0x7] =	wrdreg s3;
	s3 =	sshrl.u32 @!p0 s1, $0x3  }
0xc: {  	[spmem:s3], [sflag:s4] =	dma.local @!p0 [hbm:s6], $0x640  }
0xd: {  	_ =	swait.ge @!p0 [sflag:s5], $0x640  }
0xe: {  	[sflag:s5] =	ssyncset.done @!p0 $0x0  }
0xf: {  	s6 =	simm.s32 $0xA;
	s8 =	rddreg [dreg:$0x7];
	[sflag:s5] =	ssyncadd.s32 @!p0 $0xFFFFF9C0  }
0x10: {  	[tilespmem:s2], [sflag:$0xA] =	stream.linear.gather [hbm4b:s8+s2], $0x200, $0x38;
	[tilespmem:$0xC520] =	vst v63  }
0x11: {  	_ =	swait.ge [sflag:s6], $0x200  }
0x12: {  	s22 =	sshll.u32 s7, $0x4;
	[sflag:s6] =	ssyncset.done $0x0  }
0x13: {  	s7 =	sadd.s32 s21, s22;
	[sflag:s6] =	ssyncadd.s32 $0xFFFFFE00  }
0x14: {  	s19 =	sor.u32 $0x800, s22;
	s8 =	simm.s32 $0x520;
	[bflag:$0x0] =	sbarrier.arrive $0xFFFF  }
0x15: {  	[tilespmem:s8], [sflag:$0x1] =	stream.linear.gather [hbm4b:s7+s2], $0x4000, $0x38;
	[tilespmem:$0xC520] =	vst v63  }
0x16: {  	s10 =	simm.s32 $0x4520;
	s11 =	simm.s32 $0x1;
	s9 =	sadd.s32 s21, s19  }
0x17: {  	[tilespmem:s10], [sflag:$0x2] =	stream.linear.gather [hbm4b:s9+s2], $0x4000, $0x38;
	[tilespmem:$0xC520] =	vst v63  }
0x18: {  	_ =	swait.ge [sflag:s11], $0x4000  }
0x19: {  	[sflag:s11] =	ssyncset.done $0x0  }
0x1a: {  	s12 =	simm.s32 $0x80;
	s13 =	simm.s32 $0x4;
	[sflag:s11] =	ssyncadd.s32 $0xFFFFC000  }
0x1b: {  	[tilespmem:s8], [sflag:$0x4] =	stream.indirect.gather.add.f32 [spmem:s1], $0x80, s2, s12, $0xb8;
	[tilespmem:$0xC520] =	vst v63  }
0x1c: {  	_ =	swait.ge [sflag:s13], $0x4000  }
0x1d: {  	[sflag:s13] =	ssyncset.done $0x0  }
0x1e: {  	s14 =	sadd.s32 s28, s22;
	s25 =	sor.u32 $0x1000, s22;
	[sflag:s13] =	ssyncadd.s32 $0xFFFFC000  }
0x1f: {  	[hbm4b:s14+s2] =	stream.linear.scatter [tilespmem:s8], [sflag:$0x7], $0x4000, $0x38;
	[tilespmem:$0xC520] =	vst v63  }
0x20: {  	s16 =	simm.s32 $0x8520;
	s17 =	simm.s32 $0x2;
	s15 =	sadd.s32 s21, s25  }
0x21: {  	[tilespmem:s16], [sflag:$0x3] =	stream.linear.gather [hbm4b:s15+s2], $0x4000, $0x38;
	[tilespmem:$0xC520] =	vst v63  }
0x22: {  	_ =	swait.ge [sflag:s17], $0x4000  }
0x23: {  	[sflag:s17] =	ssyncset.done $0x0  }
0x24: {  	s18 =	simm.s32 $0x5;
	[sflag:s17] =	ssyncadd.s32 $0xFFFFC000  }
0x25: {  	[tilespmem:s10], [sflag:$0x5] =	stream.indirect.gather.add.f32 [spmem:s1], $0x80, s12, s12, $0xb8;
	[tilespmem:$0xC520] =	vst v63  }
0x26: {  	_ =	swait.ge [sflag:s18], $0x4000  }
0x27: {  	[sflag:s18] =	ssyncset.done $0x0  }
0x28: {  	s20 =	simm.s32 $0x7;
	s19 =	sadd.s32 s28, s19;
	[sflag:s18] =	ssyncadd.s32 $0xFFFFC000  }
0x29: {  	[hbm4b:s19+s2] =	stream.linear.scatter [tilespmem:s10], [sflag:$0x8], $0x4000, $0x38;
	[tilespmem:$0xC520] =	vst v63  }
0x2a: {  	_ =	swait.ge [sflag:s20], $0x4000  }
0x2b: {  	s30 =	sor.u32 $0x1800, s22;
	[sflag:s20] =	ssyncset.done $0x0  }
0x2c: {  	s22 =	simm.s32 $0x3;
	s21 =	sadd.s32 s21, s30;
	[sflag:s20] =	ssyncadd.s32 $0xFFFFC000  }
0x2d: {  	[tilespmem:s8], [sflag:$0x1] =	stream.linear.gather [hbm4b:s21+s2], $0x4000, $0x38;
	[tilespmem:$0xC520] =	vst v63  }
0x2e: {  	_ =	swait.ge [sflag:s22], $0x4000  }
0x2f: {  	[sflag:s22] =	ssyncset.done $0x0  }
0x30: {  	s23 =	simm.s32 $0x100;
	s24 =	simm.s32 $0x6;
	[sflag:s22] =	ssyncadd.s32 $0xFFFFC000  }
0x31: {  	[tilespmem:s16], [sflag:$0x6] =	stream.indirect.gather.add.f32 [spmem:s1], $0x80, s23, s12, $0xb8;
	[tilespmem:$0xC520] =	vst v63  }
0x32: {  	_ =	swait.ge [sflag:s24], $0x4000  }
0x33: {  	[sflag:s24] =	ssyncset.done $0x0  }
0x34: {  	s25 =	sadd.s32 s28, s25;
	[sflag:s24] =	ssyncadd.s32 $0xFFFFC000  }
0x35: {  	[hbm4b:s25+s2] =	stream.linear.scatter [tilespmem:s16], [sflag:$0x9], $0x4000, $0x38;
	[tilespmem:$0xC520] =	vst v63  }
0x36: {  	_ =	swait.ge [sflag:s11], $0x4000  }
0x37: {  	[sflag:s11] =	ssyncset.done $0x0  }
0x38: {  	s26 =	simm.s32 $0x180;
	s29 =	ssub.s32 $0x2, s29;
	[sflag:s11] =	ssyncadd.s32 $0xFFFFC000  }
0x39: {  	[tilespmem:s8], [sflag:$0x4] =	stream.indirect.gather.add.f32 [spmem:s1], $0x80, s26, s12, $0xb8;
	[tilespmem:$0xC520] =	vst v63  }
0x3a: {  	s28 =	sadd.s32 s28, s30;
	s30 =	sshrl.u32 s29, $0x1;
	_ =	swait.ge [sflag:s13], $0x4000  }
0x3b: {  	s30 =	ssub.s32 s29, s30;
	[sflag:s13] =	ssyncset.done $0x0  }
0x3c: {  	s30 =	smax.u32 s30, $0x1;
	[sflag:s13] =	ssyncadd.s32 $0xFFFFC000  }
0x3d: {  	[hbm4b:s28+s2] =	stream.linear.scatter [tilespmem:s8], [sflag:$0x7], $0x4000, $0x38;
	[tilespmem:$0xC520] =	vst v63  }
0x3e: {  	s30 =	sadd.s32 $0xFFFFFFFF, s30;
	_ =	swait.ge [sflag:s20], $0x4000  }
0x3f: {  	p1 =	sne.s32 s30, $0x0;
	[sflag:s20] =	ssyncset.done $0x0  }
.Ltmp0:
0x40: {  	s29 =	simm.s32 $0x8;
	[sflag:s20] =	ssyncadd.s32 $0xFFFFC000;
	(pc) =	sbr.rel @!p1 .LBB2_2-.Ltmp0, $4  }
0x41: {  	_ =	swait.ge [sflag:s29], $0x4000  }
0x42: {  	[sflag:s29] =	ssyncset.done $0x0  }
0x43: {  	s31 =	simm.s32 $0x9;
	[sflag:s29] =	ssyncadd.s32 $0xFFFFC000  }
0x44: {  	_ =	swait.ge [sflag:s31], $0x4000  }
.LBB2_1:
0x45: {  	[sflag:s31] =	ssyncset.done $0x0  }
0x46: {  	s0 =	rddreg [dreg:$0x6];
	[sflag:s31] =	ssyncadd.s32 $0xFFFFC000  }
0x47: {  	[spmem:s3], [sflag:s4] =	dma.local @!p0 [hbm:s0], $0x640  }
0x48: {  	_ =	swait.ge @!p0 [sflag:s5], $0x640  }
0x49: {  	[sflag:s5] =	ssyncset.done @!p0 $0x0  }
0x4a: {  	s0 =	rddreg [dreg:$0x7];
	[sflag:s5] =	ssyncadd.s32 @!p0 $0xFFFFF9C0  }
0x4b: {  	[tilespmem:s2], [sflag:$0xA] =	stream.linear.gather [hbm4b:s0+s2], $0x200, $0x38;
	[tilespmem:$0xC520] =	vst v63  }
0x4c: {  	_ =	swait.ge [sflag:s6], $0x200  }
0x4d: {  	[sflag:s6] =	ssyncset.done $0x0  }
0x4e: {  	[sflag:s6] =	ssyncadd.s32 $0xFFFFFE00  }
0x4f: {  	[bflag:$0x0] =	sbarrier.arrive $0xFFFF  }
0x50: {  	[tilespmem:s8], [sflag:$0x1] =	stream.linear.gather [hbm4b:s7+s2], $0x4000, $0x38;
	[tilespmem:$0xC520] =	vst v63  }
0x51: {  	_ = 	snop  }
0x52: {  	[tilespmem:s10], [sflag:$0x2] =	stream.linear.gather [hbm4b:s9+s2], $0x4000, $0x38;
	[tilespmem:$0xC520] =	vst v63  }
0x53: {  	_ =	swait.ge [sflag:s11], $0x4000  }
0x54: {  	[sflag:s11] =	ssyncset.done $0x0  }
0x55: {  	[sflag:s11] =	ssyncadd.s32 $0xFFFFC000  }
0x56: {  	[tilespmem:s8], [sflag:$0x4] =	stream.indirect.gather.add.f32 [spmem:s1], $0x80, s2, s12, $0xb8;
	[tilespmem:$0xC520] =	vst v63  }
0x57: {  	_ =	swait.ge [sflag:s13], $0x4000  }
0x58: {  	[sflag:s13] =	ssyncset.done $0x0  }
0x59: {  	[sflag:s13] =	ssyncadd.s32 $0xFFFFC000  }
0x5a: {  	[hbm4b:s14+s2] =	stream.linear.scatter [tilespmem:s8], [sflag:$0x7], $0x4000, $0x38;
	[tilespmem:$0xC520] =	vst v63  }
0x5b: {  	_ = 	snop  }
0x5c: {  	[tilespmem:s16], [sflag:$0x3] =	stream.linear.gather [hbm4b:s15+s2], $0x4000, $0x38;
	[tilespmem:$0xC520] =	vst v63  }
0x5d: {  	_ =	swait.ge [sflag:s17], $0x4000  }
0x5e: {  	[sflag:s17] =	ssyncset.done $0x0  }
0x5f: {  	[sflag:s17] =	ssyncadd.s32 $0xFFFFC000  }
0x60: {  	[tilespmem:s10], [sflag:$0x5] =	stream.indirect.gather.add.f32 [spmem:s1], $0x80, s12, s12, $0xb8;
	[tilespmem:$0xC520] =	vst v63  }
0x61: {  	_ =	swait.ge [sflag:s18], $0x4000  }
0x62: {  	[sflag:s18] =	ssyncset.done $0x0  }
0x63: {  	[sflag:s18] =	ssyncadd.s32 $0xFFFFC000  }
0x64: {  	[hbm4b:s19+s2] =	stream.linear.scatter [tilespmem:s10], [sflag:$0x8], $0x4000, $0x38;
	[tilespmem:$0xC520] =	vst v63  }
0x65: {  	_ =	swait.ge [sflag:s20], $0x4000  }
0x66: {  	[sflag:s20] =	ssyncset.done $0x0  }
0x67: {  	[sflag:s20] =	ssyncadd.s32 $0xFFFFC000  }
0x68: {  	[tilespmem:s8], [sflag:$0x1] =	stream.linear.gather [hbm4b:s21+s2], $0x4000, $0x38;
	[tilespmem:$0xC520] =	vst v63  }
0x69: {  	_ =	swait.ge [sflag:s22], $0x4000  }
0x6a: {  	[sflag:s22] =	ssyncset.done $0x0  }
0x6b: {  	[sflag:s22] =	ssyncadd.s32 $0xFFFFC000  }
0x6c: {  	[tilespmem:s16], [sflag:$0x6] =	stream.indirect.gather.add.f32 [spmem:s1], $0x80, s23, s12, $0xb8;
	[tilespmem:$0xC520] =	vst v63  }
0x6d: {  	_ =	swait.ge [sflag:s24], $0x4000  }
0x6e: {  	[sflag:s24] =	ssyncset.done $0x0  }
0x6f: {  	[sflag:s24] =	ssyncadd.s32 $0xFFFFC000  }
0x70: {  	[hbm4b:s25+s2] =	stream.linear.scatter [tilespmem:s16], [sflag:$0x9], $0x4000, $0x38;
	[tilespmem:$0xC520] =	vst v63  }
0x71: {  	_ =	swait.ge [sflag:s11], $0x4000  }
0x72: {  	[sflag:s11] =	ssyncset.done $0x0  }
0x73: {  	[sflag:s11] =	ssyncadd.s32 $0xFFFFC000  }
0x74: {  	[tilespmem:s8], [sflag:$0x4] =	stream.indirect.gather.add.f32 [spmem:s1], $0x80, s26, s12, $0xb8;
	[tilespmem:$0xC520] =	vst v63  }
0x75: {  	_ =	swait.ge [sflag:s13], $0x4000  }
0x76: {  	[sflag:s13] =	ssyncset.done $0x0  }
0x77: {  	[sflag:s13] =	ssyncadd.s32 $0xFFFFC000  }
0x78: {  	[hbm4b:s28+s2] =	stream.linear.scatter [tilespmem:s8], [sflag:$0x7], $0x4000, $0x38;
	[tilespmem:$0xC520] =	vst v63  }
0x79: {  	s30 =	sadd.s32 $0xFFFFFFFF, s30;
	_ =	swait.ge [sflag:s20], $0x4000  }
0x7a: {  	p1 =	sne.s32 s30, $0x0;
	[sflag:s20] =	ssyncset.done $0x0  }
.Ltmp1:
0x7b: {  	[sflag:s20] =	ssyncadd.s32 $0xFFFFC000;
	(pc) =	sbr.rel @p1 .LBB2_1-.Ltmp1, $4  }
0x7c: {  	_ =	swait.ge [sflag:s29], $0x4000  }
0x7d: {  	[sflag:s29] =	ssyncset.done $0x0  }
0x7e: {  	[sflag:s29] =	ssyncadd.s32 $0xFFFFC000  }
0x7f: {  	_ =	swait.ge [sflag:s31], $0x4000  }
.LBB2_2:
0x80: {  	[sflag:s31] =	ssyncset.done $0x0  }
0x81: {  	[sflag:s31] =	ssyncadd.s32 $0xFFFFC000  }
0x82: {  	_ =	sfence.sel $0x180000  }
0x83: {  	[bflag:$0x0] =	sbarrier.arrive $0xFFFF  }
0x84: {  	_ =	strace $0x90000047  }
0x85: {  	[bflag:$0x2] =	sbarrier.arrive $0xFFFF  }
0x86: {  	s0 =	rddreg [dreg:$0x5]  }
0x87: {  	s0 =	sadd.s32 @!p0 $0x100000, s0  }
0x88: {  	[sflag:s0] =	ssyncadd.tile.s32 @!p0 $0x1;
	_ =	shalt  }
.Lfunc_end2:
_tile_overlayer_lowered:
.L_overlay_start_2:
0x89: {  	(tag) =	ssettag $0x2  }
0x8a: {  	s0 =	rddreg [dreg:$0x0];
	s2 =	stileid.u32  }
0x8b: {  	s1 =	rddreg [dreg:$0x1];
	p0 =	sne.s32 s2, $0x0  }
0x8c: {  	s3 =	rddreg [dreg:$0x2];
	[bflag:$0x3] =	sbarrier.arrive $0xFFFF;
	s2 =	simm.s32 @!p0 $0x1C0A  }
0x8d: {  	[timem:s3], [sflag:s2] =	dma.local @!p0 [hbm:s0], s1  }
0x8e: {  	s0 =	simm.s32 @!p0 $0xA  }
0x8f: {  	_ =	swait.ge @!p0 [sflag:s0], s1  }
0x90: {  	s1 =	ssub.s32 @!p0 $0x0, s1;
	[sflag:s0] =	ssyncset.done @!p0 $0x0  }
0x91: {  	[sflag:s0] =	ssyncadd.s32 @!p0 s1  }
0x92: {  	[bflag:$0x3] =	sbarrier.arrive $0xFFFF  }
0x93: {  	_ =	shalt  }

</sc_bundles>
